<compile_context>
chip_gen: v7x
topology: tpu7x:2x2x1
jax: 0.10.2.dev20260603
libtpu: 0.0.44.dev20260713+nightly
codegen_flags: <defaults>
</compile_context>

<pallas_src>
import functools

import jax
import jax.numpy as jnp
from jax import lax
from jax.experimental import pallas as pl
from jax.experimental.pallas import tpu as pltpu
from jax.experimental.pallas import tpu_sc as plsc

_D = 64


def _gather_body(nc, b_per_w, uidx_hbm, iidx_hbm, utab_hbm, itab_hbm,
                 out_x, uidx_v, iidx_v, urows_v, irows_v, sem_u, sem_v):
    wid = lax.axis_index("s") * nc + lax.axis_index("c")
    base = wid * b_per_w
    pltpu.sync_copy(uidx_hbm.at[pl.ds(base, b_per_w)], uidx_v)
    pltpu.sync_copy(iidx_hbm.at[pl.ds(base, b_per_w)], iidx_v)
    cu = pltpu.async_copy(utab_hbm.at[uidx_v], urows_v, sem_u)
    ci = pltpu.async_copy(itab_hbm.at[iidx_v], irows_v, sem_v)
    cu.wait()
    ci.wait()
    pltpu.sync_copy(urows_v, out_x.at[pl.ds(base, b_per_w), pl.ds(0, _D)])
    pltpu.sync_copy(irows_v, out_x.at[pl.ds(base, b_per_w), pl.ds(_D, _D)])


def _sc_gather(uidx, iidx, utab, itab):
    b = uidx.shape[0]
    info = plsc.get_sparse_core_info()
    nc, ns = info.num_cores, info.num_subcores
    nw = nc * ns
    b_per_w = b // nw
    mesh = plsc.VectorSubcoreMesh(core_axis_name="c", subcore_axis_name="s")
    k = pl.kernel(
        functools.partial(_gather_body, nc, b_per_w),
        out_type=jax.ShapeDtypeStruct((b, 2 * _D), jnp.float32),
        mesh=mesh,
        scratch_types=[
            pltpu.VMEM((b_per_w,), jnp.int32),
            pltpu.VMEM((b_per_w,), jnp.int32),
            pltpu.VMEM((b_per_w, _D), jnp.float32),
            pltpu.VMEM((b_per_w, _D), jnp.float32),
            pltpu.SemaphoreType.DMA,
            pltpu.SemaphoreType.DMA,
        ],
        compiler_params=pltpu.CompilerParams(use_tc_tiling_on_sc=False),
    )
    return k(uidx, iidx, utab, itab)


def _matmul_t(x, w):
    return lax.dot_general(x, w, (((1,), (1,)), ((), ())),
                           preferred_element_type=jnp.float32)


def _bn_relu(x, ones_row, g, be, inv_b):
    s = jnp.dot(ones_row, jnp.concatenate([x, x * x], axis=1),
                preferred_element_type=jnp.float32)
    m = s[0, : x.shape[1]] * inv_b
    msq = s[0, x.shape[1]:] * inv_b
    var = msq - m * m
    scale = g * lax.rsqrt(var + 1e-5)
    shift = be - m * scale
    return jnp.maximum(x * scale + shift, 0.0)


def _mlp_body(x_hbm, w0_ref, b0_ref, w1_ref, b1_ref, w2_ref, b2_ref,
              w3_ref, b3_ref, w4_ref, b4_ref,
              g0_ref, be0_ref, g1_ref, be1_ref, g2_ref, be2_ref,
              g3_ref, be3_ref, out_ref, x_vmem, sem):
    pltpu.async_copy(x_hbm, x_vmem, sem).wait()
    b = x_vmem.shape[0]
    inv_b = 1.0 / b
    ones_row = jnp.ones((1, b), jnp.float32)
    x = _matmul_t(x_vmem[...], w0_ref[...]) + b0_ref[...]
    x = _bn_relu(x, ones_row, g0_ref[...], be0_ref[...], inv_b)
    x = _matmul_t(x, w1_ref[...]) + b1_ref[...]
    x = _bn_relu(x, ones_row, g1_ref[...], be1_ref[...], inv_b)
    x = _matmul_t(x, w2_ref[...]) + b2_ref[...]
    x = _bn_relu(x, ones_row, g2_ref[...], be2_ref[...], inv_b)
    x = _matmul_t(x, w3_ref[...]) + b3_ref[...]
    x = _bn_relu(x, ones_row, g3_ref[...], be3_ref[...], inv_b)
    w4p = jnp.concatenate([w4_ref[...], jnp.zeros((7, 8), jnp.float32)], axis=0)
    x = _matmul_t(x, w4p)[:, 0:1] + b4_ref[0, 0]
    out_ref[...] = 5.0 * jax.nn.sigmoid(x)


def kernel(user_id, item_id, user_emb, item_emb, W0, b0, W1, b1, W2, b2,
           W3, b3, W4, b4, g0, be0, g1, be1, g2, be2, g3, be3):
    b = user_id.shape[0]
    x = _sc_gather(user_id.astype(jnp.int32), item_id.astype(jnp.int32),
                   user_emb, item_emb)

    n_in = 19
    mlp = pl.pallas_call(
        _mlp_body,
        in_specs=[pl.BlockSpec(memory_space=pltpu.MemorySpace.HBM)]
        + [pl.BlockSpec(memory_space=pltpu.MemorySpace.VMEM)] * 9
        + [pl.BlockSpec(memory_space=pltpu.MemorySpace.SMEM)]
        + [pl.BlockSpec(memory_space=pltpu.MemorySpace.VMEM)] * (n_in - 11),
        out_shape=jax.ShapeDtypeStruct((b, 1), jnp.float32),
        scratch_shapes=[pltpu.VMEM((b, 2 * _D), jnp.float32),
                        pltpu.SemaphoreType.DMA],
    )
    return mlp(
        x,
        W0, b0.reshape(1, -1), W1, b1.reshape(1, -1), W2, b2.reshape(1, -1),
        W3, b3.reshape(1, -1), W4, b4.reshape(1, -1),
        g0.reshape(1, -1), be0.reshape(1, -1), g1.reshape(1, -1),
        be1.reshape(1, -1), g2.reshape(1, -1), be2.reshape(1, -1),
        g3.reshape(1, -1), be3.reshape(1, -1),
    )

# --- scband reference (transcript-rebuilt; emitter-appended) ---
"""Pipeline reference for scband-neuronal-colaborative-filter-28896539968289 (READ-ONLY COPY).

The authoritative reference and input builder live on the scoring server;
editing this copy changes nothing except your own understanding.
"""

import jax, jax.numpy as jnp
import numpy as np

U = 100000
I = 100000
D = 64
B = 16384
HL = (128, 64, 32, 16, 8)


def _kaiming(key, fan_out, fan_in):
    bound = float(np.sqrt(6.0 / fan_in))
    return jax.random.uniform(key, (fan_out, fan_in), minval=-bound, maxval=bound, dtype=jnp.float32)


def setup_inputs(seed: int = 0) -> dict:
    key = jax.random.key(seed)
    ks = jax.random.split(key, 12)
    inp = {}
    inp['user_id'] = jax.random.randint(ks[0], (B,), 0, U)
    inp['item_id'] = jax.random.randint(ks[1], (B,), 0, I)
    inp['user_emb'] = jax.random.uniform(ks[2], (U, D), minval=-0.1, maxval=0.1, dtype=jnp.float32)
    inp['item_emb'] = jax.random.uniform(ks[3], (I, D), minval=-0.1, maxval=0.1, dtype=jnp.float32)
    # MLP linear layers: 128->64->32->16->8, then 8->1
    dims = list(zip(HL[1:] + (1,), HL))  # (out, in) pairs: (64,128),(32,64),(16,32),(8,16),(1,8)
    dims = [(HL[i + 1], HL[i]) for i in range(len(HL) - 1)] + [(1, HL[-1])]
    for li, (fo, fi) in enumerate(dims):
        inp[f'W{li}'] = _kaiming(ks[4 + li], fo, fi)
        inp[f'b{li}'] = jnp.full((fo,), 0.01, dtype=jnp.float32)
    # BatchNorm params for hidden layers 64,32,16,8
    for bi, nu in enumerate(HL[1:]):
        inp[f'g{bi}'] = jnp.ones((nu,), dtype=jnp.float32)
        inp[f'be{bi}'] = jnp.zeros((nu,), dtype=jnp.float32)
    return inp


def reference(user_id, item_id, user_emb, item_emb, W0, b0, W1, b1, W2, b2, W3, b3, W4, b4, g0, be0, g1, be1, g2, be2, g3, be3):
    # NOTE: original torch code uses user_hash_size for BOTH modulos (faithful bug reproduction)
    u = jnp.take(user_emb, user_id % U, axis=0)
    v = jnp.take(item_emb, item_id % U, axis=0)
    x = jnp.concatenate([u, v], axis=1)
    # dropout is identity at inference
    Ws = [W0, W1, W2, W3]
    bs = [b0, b1, b2, b3]
    gs = [g0, g1, g2, g3]
    bes = [be0, be1, be2, be3]
    for W, b, g, be in zip(Ws, bs, gs, bes):
        x = x @ W.T + b
        m = jnp.mean(x, axis=0)
        var = jnp.var(x, axis=0)
        x = g * (x - m) / jnp.sqrt(var + 1e-5) + be
        x = jax.nn.relu(x)
    x = x @ W4.T + b4
    x = jax.nn.sigmoid(x)
    return x * 5.0

if __name__ == "__main__":
    import jax
    _d = setup_inputs()
    print(jax.jit(kernel)(*tuple(_d.values())))

</pallas_src>

<mosaic_0001>
#map = affine_map<(d0, d1) -> (0)>
#map1 = affine_map<(d0, d1) -> (0, 0)>
module attributes {stable_mosaic.version = 14 : i64} {
  func.func @_gather_body(%arg0: i32, %arg1: i32, %arg2: memref<16384xi32, #tpu.memory_space<hbm>>, %arg3: memref<16384xi32, #tpu.memory_space<hbm>>, %arg4: memref<100000x64xf32, #tpu.memory_space<hbm>>, %arg5: memref<100000x64xf32, #tpu.memory_space<hbm>>, %arg6: memref<16384x128xf32, #tpu.memory_space<hbm>>, %arg7: memref<512xi32, #tpu.memory_space<vmem>>, %arg8: memref<512xi32, #tpu.memory_space<vmem>>, %arg9: memref<512x64xf32, #tpu.memory_space<vmem>>, %arg10: memref<512x64xf32, #tpu.memory_space<vmem>>, %arg11: memref<!tpu.dma_semaphore, #tpu.memory_space<semaphore_mem>>, %arg12: memref<!tpu.dma_semaphore, #tpu.memory_space<semaphore_mem>>) attributes {dimension_semantics = [#tpu.dimension_semantics<core_parallel>, #tpu.dimension_semantics<subcore_parallel>], iteration_bounds = array<i64: 2, 16>, scalar_prefetch = 0 : i64, scratch_operands = 6 : i64, tpu.core_type = #tpu.core_type<sc_vector_subcore>, window_params = [{transform_indices = #map}, {transform_indices = #map}, {transform_indices = #map1}, {transform_indices = #map1}, {transform_indices = #map1}]} {
    %mul3A = arith.constant 2 : i32
    %mul3A_0 = arith.muli %arg1, %mul3A : i32
    %add3A = arith.addi %mul3A_0, %arg0 : i32
    %mul3A_1 = arith.constant 512 : i32
    %mul3A_2 = arith.muli %add3A, %mul3A_1 : i32
    "tpu.region"() ({
      %run_scoped3A = tpu.sem_alloc : memref<!tpu.dma_semaphore, #tpu.memory_space<semaphore_mem>>
      %dma_start3A_13 = tpu.memref_slice %arg2[%mul3A_2] : memref<16384xi32, #tpu.memory_space<hbm>> -> memref<512xi32, #tpu.memory_space<hbm>>
      %dma_start3A_14 = tpu.memref_slice %arg2[%mul3A_2] : memref<16384xi32, #tpu.memory_space<hbm>> -> memref<512xi32, #tpu.memory_space<hbm>>
      tpu.enqueue_dma source(%dma_start3A_14 : memref<512xi32, #tpu.memory_space<hbm>>) target(%arg7 : memref<512xi32, #tpu.memory_space<vmem>>) target_semaphore(%run_scoped3A : memref<!tpu.dma_semaphore, #tpu.memory_space<semaphore_mem>>)
      %dma_wait3A_15 = tpu.memref_slice %arg2[%mul3A_2] : memref<16384xi32, #tpu.memory_space<hbm>> -> memref<512xi32, #tpu.memory_space<hbm>>
      %dma_wait3A_16 = tpu.memref_slice %arg2[%mul3A_2] : memref<16384xi32, #tpu.memory_space<hbm>> -> memref<512xi32, #tpu.memory_space<hbm>>
      tpu.wait_dma2 semaphore(%run_scoped3A : memref<!tpu.dma_semaphore, #tpu.memory_space<semaphore_mem>>) src(%dma_wait3A_16 : memref<512xi32, #tpu.memory_space<hbm>>) dst(%arg7 : memref<512xi32, #tpu.memory_space<vmem>>)
      tpu.yield
    }) : () -> ()
    "tpu.region"() ({
      %run_scoped3A = tpu.sem_alloc : memref<!tpu.dma_semaphore, #tpu.memory_space<semaphore_mem>>
      %dma_start3A_13 = tpu.memref_slice %arg3[%mul3A_2] : memref<16384xi32, #tpu.memory_space<hbm>> -> memref<512xi32, #tpu.memory_space<hbm>>
      %dma_start3A_14 = tpu.memref_slice %arg3[%mul3A_2] : memref<16384xi32, #tpu.memory_space<hbm>> -> memref<512xi32, #tpu.memory_space<hbm>>
      tpu.enqueue_dma source(%dma_start3A_14 : memref<512xi32, #tpu.memory_space<hbm>>) target(%arg8 : memref<512xi32, #tpu.memory_space<vmem>>) target_semaphore(%run_scoped3A : memref<!tpu.dma_semaphore, #tpu.memory_space<semaphore_mem>>)
      %dma_wait3A_15 = tpu.memref_slice %arg3[%mul3A_2] : memref<16384xi32, #tpu.memory_space<hbm>> -> memref<512xi32, #tpu.memory_space<hbm>>
      %dma_wait3A_16 = tpu.memref_slice %arg3[%mul3A_2] : memref<16384xi32, #tpu.memory_space<hbm>> -> memref<512xi32, #tpu.memory_space<hbm>>
      tpu.wait_dma2 semaphore(%run_scoped3A : memref<!tpu.dma_semaphore, #tpu.memory_space<semaphore_mem>>) src(%dma_wait3A_16 : memref<512xi32, #tpu.memory_space<hbm>>) dst(%arg8 : memref<512xi32, #tpu.memory_space<vmem>>)
      tpu.yield
    }) : () -> ()
    %dma_start3A = arith.constant 0 : i32
    %dma_start3A_3 = arith.constant 0 : i32
    %dma_start3A_4 = tpu.memref_slice %arg4[%dma_start3A, %dma_start3A_3] : memref<100000x64xf32, #tpu.memory_space<hbm>> -> memref<100000x64xf32, #tpu.memory_space<hbm>>
    tpu.enqueue_indirect_dma source(%dma_start3A_4 : memref<100000x64xf32, #tpu.memory_space<hbm>>) target(%arg9 : memref<512x64xf32, #tpu.memory_space<vmem>>) offsets(%arg7 : memref<512xi32, #tpu.memory_space<vmem>>) semaphore(%arg11 : memref<!tpu.dma_semaphore, #tpu.memory_space<semaphore_mem>>)
    %dma_start3A_5 = arith.constant 0 : i32
    %dma_start3A_6 = arith.constant 0 : i32
    %dma_start3A_7 = tpu.memref_slice %arg5[%dma_start3A_5, %dma_start3A_6] : memref<100000x64xf32, #tpu.memory_space<hbm>> -> memref<100000x64xf32, #tpu.memory_space<hbm>>
    tpu.enqueue_indirect_dma source(%dma_start3A_7 : memref<100000x64xf32, #tpu.memory_space<hbm>>) target(%arg10 : memref<512x64xf32, #tpu.memory_space<vmem>>) offsets(%arg8 : memref<512xi32, #tpu.memory_space<vmem>>) semaphore(%arg12 : memref<!tpu.dma_semaphore, #tpu.memory_space<semaphore_mem>>)
    %dma_wait3A = arith.constant 0 : i32
    %dma_wait3A_8 = arith.constant 0 : i32
    %dma_wait3A_9 = tpu.memref_slice %arg4[%dma_wait3A, %dma_wait3A_8] : memref<100000x64xf32, #tpu.memory_space<hbm>> -> memref<100000x64xf32, #tpu.memory_space<hbm>>
    tpu.wait_indirect_dma semaphore(%arg11 : memref<!tpu.dma_semaphore, #tpu.memory_space<semaphore_mem>>) src(%dma_wait3A_9 : memref<100000x64xf32, #tpu.memory_space<hbm>>) dst(%arg9 : memref<512x64xf32, #tpu.memory_space<vmem>>)
    %dma_wait3A_10 = arith.constant 0 : i32
    %dma_wait3A_11 = arith.constant 0 : i32
    %dma_wait3A_12 = tpu.memref_slice %arg5[%dma_wait3A_10, %dma_wait3A_11] : memref<100000x64xf32, #tpu.memory_space<hbm>> -> memref<100000x64xf32, #tpu.memory_space<hbm>>
    tpu.wait_indirect_dma semaphore(%arg12 : memref<!tpu.dma_semaphore, #tpu.memory_space<semaphore_mem>>) src(%dma_wait3A_12 : memref<100000x64xf32, #tpu.memory_space<hbm>>) dst(%arg10 : memref<512x64xf32, #tpu.memory_space<vmem>>)
    "tpu.region"() ({
      %run_scoped3A = tpu.sem_alloc : memref<!tpu.dma_semaphore, #tpu.memory_space<semaphore_mem>>
      %dma_start3A_13 = arith.constant 0 : i32
      %dma_start3A_14 = tpu.memref_slice %arg6[%mul3A_2, %dma_start3A_13] : memref<16384x128xf32, #tpu.memory_space<hbm>> -> memref<512x64xf32, #tpu.memory_space<hbm>>
      %dma_start3A_15 = arith.constant 0 : i32
      %dma_start3A_16 = tpu.memref_slice %arg6[%mul3A_2, %dma_start3A_15] : memref<16384x128xf32, #tpu.memory_space<hbm>> -> memref<512x64xf32, #tpu.memory_space<hbm>>
      tpu.enqueue_dma source(%arg9 : memref<512x64xf32, #tpu.memory_space<vmem>>) target(%dma_start3A_16 : memref<512x64xf32, #tpu.memory_space<hbm>>) target_semaphore(%run_scoped3A : memref<!tpu.dma_semaphore, #tpu.memory_space<semaphore_mem>>)
      %dma_wait3A_17 = arith.constant 0 : i32
      %dma_wait3A_18 = tpu.memref_slice %arg6[%mul3A_2, %dma_wait3A_17] : memref<16384x128xf32, #tpu.memory_space<hbm>> -> memref<512x64xf32, #tpu.memory_space<hbm>>
      %dma_wait3A_19 = arith.constant 0 : i32
      %dma_wait3A_20 = tpu.memref_slice %arg6[%mul3A_2, %dma_wait3A_19] : memref<16384x128xf32, #tpu.memory_space<hbm>> -> memref<512x64xf32, #tpu.memory_space<hbm>>
      tpu.wait_dma2 semaphore(%run_scoped3A : memref<!tpu.dma_semaphore, #tpu.memory_space<semaphore_mem>>) src(%arg9 : memref<512x64xf32, #tpu.memory_space<vmem>>) dst(%dma_wait3A_20 : memref<512x64xf32, #tpu.memory_space<hbm>>)
      tpu.yield
    }) : () -> ()
    "tpu.region"() ({
      %run_scoped3A = tpu.sem_alloc : memref<!tpu.dma_semaphore, #tpu.memory_space<semaphore_mem>>
      %dma_start3A_13 = arith.constant 64 : i32
      %dma_start3A_14 = tpu.memref_slice %arg6[%mul3A_2, %dma_start3A_13] : memref<16384x128xf32, #tpu.memory_space<hbm>> -> memref<512x64xf32, #tpu.memory_space<hbm>>
      %dma_start3A_15 = arith.constant 64 : i32
      %dma_start3A_16 = tpu.memref_slice %arg6[%mul3A_2, %dma_start3A_15] : memref<16384x128xf32, #tpu.memory_space<hbm>> -> memref<512x64xf32, #tpu.memory_space<hbm>>
      tpu.enqueue_dma source(%arg10 : memref<512x64xf32, #tpu.memory_space<vmem>>) target(%dma_start3A_16 : memref<512x64xf32, #tpu.memory_space<hbm>>) target_semaphore(%run_scoped3A : memref<!tpu.dma_semaphore, #tpu.memory_space<semaphore_mem>>)
      %dma_wait3A_17 = arith.constant 64 : i32
      %dma_wait3A_18 = tpu.memref_slice %arg6[%mul3A_2, %dma_wait3A_17] : memref<16384x128xf32, #tpu.memory_space<hbm>> -> memref<512x64xf32, #tpu.memory_space<hbm>>
      %dma_wait3A_19 = arith.constant 64 : i32
      %dma_wait3A_20 = tpu.memref_slice %arg6[%mul3A_2, %dma_wait3A_19] : memref<16384x128xf32, #tpu.memory_space<hbm>> -> memref<512x64xf32, #tpu.memory_space<hbm>>
      tpu.wait_dma2 semaphore(%run_scoped3A : memref<!tpu.dma_semaphore, #tpu.memory_space<semaphore_mem>>) src(%arg10 : memref<512x64xf32, #tpu.memory_space<vmem>>) dst(%dma_wait3A_20 : memref<512x64xf32, #tpu.memory_space<hbm>>)
      tpu.yield
    }) : () -> ()
    return
  }
}

module attributes {stable_mosaic.version = 14 : i64} {
  func.func @_mlp_body(%arg0: memref<16384x128xf32, #tpu.memory_space<hbm>>, %arg1: memref<64x128xf32, #tpu.memory_space<vmem>>, %arg2: memref<1x64xf32, #tpu.memory_space<vmem>>, %arg3: memref<32x64xf32, #tpu.memory_space<vmem>>, %arg4: memref<1x32xf32, #tpu.memory_space<vmem>>, %arg5: memref<16x32xf32, #tpu.memory_space<vmem>>, %arg6: memref<1x16xf32, #tpu.memory_space<vmem>>, %arg7: memref<8x16xf32, #tpu.memory_space<vmem>>, %arg8: memref<1x8xf32, #tpu.memory_space<vmem>>, %arg9: memref<1x8xf32, #tpu.memory_space<vmem>>, %arg10: memref<1x1xf32, #tpu.memory_space<smem>>, %arg11: memref<1x64xf32, #tpu.memory_space<vmem>>, %arg12: memref<1x64xf32, #tpu.memory_space<vmem>>, %arg13: memref<1x32xf32, #tpu.memory_space<vmem>>, %arg14: memref<1x32xf32, #tpu.memory_space<vmem>>, %arg15: memref<1x16xf32, #tpu.memory_space<vmem>>, %arg16: memref<1x16xf32, #tpu.memory_space<vmem>>, %arg17: memref<1x8xf32, #tpu.memory_space<vmem>>, %arg18: memref<1x8xf32, #tpu.memory_space<vmem>>, %arg19: memref<16384x1xf32, #tpu.memory_space<vmem>>, %arg20: memref<16384x128xf32, #tpu.memory_space<vmem>>, %arg21: memref<!tpu.dma_semaphore, #tpu.memory_space<semaphore_mem>>) attributes {dimension_semantics = [], scalar_prefetch = 0 : i64, scratch_operands = 2 : i64, tpu.core_type = #tpu.core_type<tc>} {
    tpu.enqueue_dma source(%arg0 : memref<16384x128xf32, #tpu.memory_space<hbm>>) target(%arg20 : memref<16384x128xf32, #tpu.memory_space<vmem>>) target_semaphore(%arg21 : memref<!tpu.dma_semaphore, #tpu.memory_space<semaphore_mem>>)
    tpu.wait_dma2 semaphore(%arg21 : memref<!tpu.dma_semaphore, #tpu.memory_space<semaphore_mem>>) src(%arg0 : memref<16384x128xf32, #tpu.memory_space<hbm>>) dst(%arg20 : memref<16384x128xf32, #tpu.memory_space<vmem>>)
    %broadcast_in_dim3A = arith.constant 1.000000e+00 : f32
    %broadcast_in_dim3A_0 = vector.broadcast %broadcast_in_dim3A : f32 to vector<1x16384xf32>
    %get3A = arith.constant 0 : index
    %get3A_1 = arith.constant 0 : index
    %get3A_2 = vector.load %arg20[%get3A, %get3A_1] : memref<16384x128xf32, #tpu.memory_space<vmem>>, vector<16384x128xf32>
    %get3A_3 = arith.constant 0 : index
    %get3A_4 = arith.constant 0 : index
    %get3A_5 = vector.load %arg1[%get3A_3, %get3A_4] : memref<64x128xf32, #tpu.memory_space<vmem>>, vector<64x128xf32>
    %dot_general3A = arith.constant dense<0.000000e+00> : vector<16384x64xf32>
    %dot_general3A_6 = tpu.matmul %get3A_2, %get3A_5, %dot_general3A {dimension_numbers = #tpu.dot_dimension_numbers<[1], [1], [0], [0], [0, 0, 1, 0], [], []>, transpose_lhs_hint = false} : vector<16384x128xf32>, vector<64x128xf32>, vector<16384x64xf32> -> vector<16384x64xf32>
    %get3A_7 = arith.constant 0 : index
    %get3A_8 = arith.constant 0 : index
    %get3A_9 = vector.load %arg2[%get3A_7, %get3A_8] : memref<1x64xf32, #tpu.memory_space<vmem>>, vector<1x64xf32>
    %add3A = vector.broadcast %get3A_9 : vector<1x64xf32> to vector<16384x64xf32>
    %add3A_10 = arith.addf %dot_general3A_6, %add3A : vector<16384x64xf32>
    %get3A_11 = arith.constant 0 : index
    %get3A_12 = arith.constant 0 : index
    %get3A_13 = vector.load %arg11[%get3A_11, %get3A_12] : memref<1x64xf32, #tpu.memory_space<vmem>>, vector<1x64xf32>
    %get3A_14 = arith.constant 0 : index
    %get3A_15 = arith.constant 0 : index
    %get3A_16 = vector.load %arg12[%get3A_14, %get3A_15] : memref<1x64xf32, #tpu.memory_space<vmem>>, vector<1x64xf32>
    %mul3A = arith.mulf %add3A_10, %add3A_10 : vector<16384x64xf32>
    %concatenate3A = tpu.concatenate %add3A_10, %mul3A in 1 : vector<16384x64xf32>, vector<16384x64xf32> -> vector<16384x128xf32>
    %dot_general3A_17 = arith.constant dense<0.000000e+00> : vector<1x128xf32>
    %dot_general3A_18 = tpu.matmul %broadcast_in_dim3A_0, %concatenate3A, %dot_general3A_17 {dimension_numbers = #tpu.dot_dimension_numbers<[1], [0], [0], [1], [0, 0, 1, 1], [], []>, transpose_lhs_hint = false} : vector<1x16384xf32>, vector<16384x128xf32>, vector<1x128xf32> -> vector<1x128xf32>
    %slice3A = vector.extract_strided_slice %dot_general3A_18 {offsets = [0, 0], sizes = [1, 64], strides = [1, 1]} : vector<1x128xf32> to vector<1x64xf32>
    %squeeze3A = vector.shape_cast %slice3A : vector<1x64xf32> to vector<64xf32>
    %mul3A_19 = arith.constant 6.10351563E-5 : f32
    %mul3A_20 = vector.broadcast %mul3A_19 : f32 to vector<64xf32>
    %mul3A_21 = arith.mulf %squeeze3A, %mul3A_20 : vector<64xf32>
    %slice3A_22 = vector.extract_strided_slice %dot_general3A_18 {offsets = [0, 64], sizes = [1, 64], strides = [1, 1]} : vector<1x128xf32> to vector<1x64xf32>
    %squeeze3A_23 = vector.shape_cast %slice3A_22 : vector<1x64xf32> to vector<64xf32>
    %mul3A_24 = arith.constant 6.10351563E-5 : f32
    %mul3A_25 = vector.broadcast %mul3A_24 : f32 to vector<64xf32>
    %mul3A_26 = arith.mulf %squeeze3A_23, %mul3A_25 : vector<64xf32>
    %mul3A_27 = arith.mulf %mul3A_21, %mul3A_21 : vector<64xf32>
    %sub3A = arith.subf %mul3A_26, %mul3A_27 : vector<64xf32>
    %add3A_28 = arith.constant 9.99999974E-6 : f32
    %add3A_29 = vector.broadcast %add3A_28 : f32 to vector<64xf32>
    %add3A_30 = arith.addf %sub3A, %add3A_29 : vector<64xf32>
    %rsqrt3A = math.rsqrt %add3A_30 : vector<64xf32>
    %broadcast_in_dim3A_31 = vector.shape_cast %rsqrt3A : vector<64xf32> to vector<1x64xf32>
    %mul3A_32 = arith.mulf %get3A_13, %broadcast_in_dim3A_31 : vector<1x64xf32>
    %broadcast_in_dim3A_33 = vector.shape_cast %mul3A_21 : vector<64xf32> to vector<1x64xf32>
    %mul3A_34 = arith.mulf %broadcast_in_dim3A_33, %mul3A_32 : vector<1x64xf32>
    %sub3A_35 = arith.subf %get3A_16, %mul3A_34 : vector<1x64xf32>
    %mul3A_36 = vector.broadcast %mul3A_32 : vector<1x64xf32> to vector<16384x64xf32>
    %mul3A_37 = arith.mulf %add3A_10, %mul3A_36 : vector<16384x64xf32>
    %add3A_38 = vector.broadcast %sub3A_35 : vector<1x64xf32> to vector<16384x64xf32>
    %add3A_39 = arith.addf %mul3A_37, %add3A_38 : vector<16384x64xf32>
    %max3A = arith.constant 0.000000e+00 : f32
    %max3A_40 = vector.broadcast %max3A : f32 to vector<16384x64xf32>
    %max3A_41 = arith.maximumf %add3A_39, %max3A_40 : vector<16384x64xf32>
    %get3A_42 = arith.constant 0 : index
    %get3A_43 = arith.constant 0 : index
    %get3A_44 = vector.load %arg3[%get3A_42, %get3A_43] : memref<32x64xf32, #tpu.memory_space<vmem>>, vector<32x64xf32>
    %dot_general3A_45 = arith.constant dense<0.000000e+00> : vector<16384x32xf32>
    %dot_general3A_46 = tpu.matmul %max3A_41, %get3A_44, %dot_general3A_45 {dimension_numbers = #tpu.dot_dimension_numbers<[1], [1], [0], [0], [0, 0, 1, 0], [], []>, transpose_lhs_hint = false} : vector<16384x64xf32>, vector<32x64xf32>, vector<16384x32xf32> -> vector<16384x32xf32>
    %get3A_47 = arith.constant 0 : index
    %get3A_48 = arith.constant 0 : index
    %get3A_49 = vector.load %arg4[%get3A_47, %get3A_48] : memref<1x32xf32, #tpu.memory_space<vmem>>, vector<1x32xf32>
    %add3A_50 = vector.broadcast %get3A_49 : vector<1x32xf32> to vector<16384x32xf32>
    %add3A_51 = arith.addf %dot_general3A_46, %add3A_50 : vector<16384x32xf32>
    %get3A_52 = arith.constant 0 : index
    %get3A_53 = arith.constant 0 : index
    %get3A_54 = vector.load %arg13[%get3A_52, %get3A_53] : memref<1x32xf32, #tpu.memory_space<vmem>>, vector<1x32xf32>
    %get3A_55 = arith.constant 0 : index
    %get3A_56 = arith.constant 0 : index
    %get3A_57 = vector.load %arg14[%get3A_55, %get3A_56] : memref<1x32xf32, #tpu.memory_space<vmem>>, vector<1x32xf32>
    %mul3A_58 = arith.mulf %add3A_51, %add3A_51 : vector<16384x32xf32>
    %concatenate3A_59 = tpu.concatenate %add3A_51, %mul3A_58 in 1 : vector<16384x32xf32>, vector<16384x32xf32> -> vector<16384x64xf32>
    %dot_general3A_60 = arith.constant dense<0.000000e+00> : vector<1x64xf32>
    %dot_general3A_61 = tpu.matmul %broadcast_in_dim3A_0, %concatenate3A_59, %dot_general3A_60 {dimension_numbers = #tpu.dot_dimension_numbers<[1], [0], [0], [1], [0, 0, 1, 1], [], []>, transpose_lhs_hint = false} : vector<1x16384xf32>, vector<16384x64xf32>, vector<1x64xf32> -> vector<1x64xf32>
    %slice3A_62 = vector.extract_strided_slice %dot_general3A_61 {offsets = [0, 0], sizes = [1, 32], strides = [1, 1]} : vector<1x64xf32> to vector<1x32xf32>
    %squeeze3A_63 = vector.shape_cast %slice3A_62 : vector<1x32xf32> to vector<32xf32>
    %mul3A_64 = arith.constant 6.10351563E-5 : f32
    %mul3A_65 = vector.broadcast %mul3A_64 : f32 to vector<32xf32>
    %mul3A_66 = arith.mulf %squeeze3A_63, %mul3A_65 : vector<32xf32>
    %slice3A_67 = vector.extract_strided_slice %dot_general3A_61 {offsets = [0, 32], sizes = [1, 32], strides = [1, 1]} : vector<1x64xf32> to vector<1x32xf32>
    %squeeze3A_68 = vector.shape_cast %slice3A_67 : vector<1x32xf32> to vector<32xf32>
    %mul3A_69 = arith.constant 6.10351563E-5 : f32
    %mul3A_70 = vector.broadcast %mul3A_69 : f32 to vector<32xf32>
    %mul3A_71 = arith.mulf %squeeze3A_68, %mul3A_70 : vector<32xf32>
    %mul3A_72 = arith.mulf %mul3A_66, %mul3A_66 : vector<32xf32>
    %sub3A_73 = arith.subf %mul3A_71, %mul3A_72 : vector<32xf32>
    %add3A_74 = arith.constant 9.99999974E-6 : f32
    %add3A_75 = vector.broadcast %add3A_74 : f32 to vector<32xf32>
    %add3A_76 = arith.addf %sub3A_73, %add3A_75 : vector<32xf32>
    %rsqrt3A_77 = math.rsqrt %add3A_76 : vector<32xf32>
    %broadcast_in_dim3A_78 = vector.shape_cast %rsqrt3A_77 : vector<32xf32> to vector<1x32xf32>
    %mul3A_79 = arith.mulf %get3A_54, %broadcast_in_dim3A_78 : vector<1x32xf32>
    %broadcast_in_dim3A_80 = vector.shape_cast %mul3A_66 : vector<32xf32> to vector<1x32xf32>
    %mul3A_81 = arith.mulf %broadcast_in_dim3A_80, %mul3A_79 : vector<1x32xf32>
    %sub3A_82 = arith.subf %get3A_57, %mul3A_81 : vector<1x32xf32>
    %mul3A_83 = vector.broadcast %mul3A_79 : vector<1x32xf32> to vector<16384x32xf32>
    %mul3A_84 = arith.mulf %add3A_51, %mul3A_83 : vector<16384x32xf32>
    %add3A_85 = vector.broadcast %sub3A_82 : vector<1x32xf32> to vector<16384x32xf32>
    %add3A_86 = arith.addf %mul3A_84, %add3A_85 : vector<16384x32xf32>
    %max3A_87 = arith.constant 0.000000e+00 : f32
    %max3A_88 = vector.broadcast %max3A_87 : f32 to vector<16384x32xf32>
    %max3A_89 = arith.maximumf %add3A_86, %max3A_88 : vector<16384x32xf32>
    %get3A_90 = arith.constant 0 : index
    %get3A_91 = arith.constant 0 : index
    %get3A_92 = vector.load %arg5[%get3A_90, %get3A_91] : memref<16x32xf32, #tpu.memory_space<vmem>>, vector<16x32xf32>
    %dot_general3A_93 = arith.constant dense<0.000000e+00> : vector<16384x16xf32>
    %dot_general3A_94 = tpu.matmul %max3A_89, %get3A_92, %dot_general3A_93 {dimension_numbers = #tpu.dot_dimension_numbers<[1], [1], [0], [0], [0, 0, 1, 0], [], []>, transpose_lhs_hint = false} : vector<16384x32xf32>, vector<16x32xf32>, vector<16384x16xf32> -> vector<16384x16xf32>
    %get3A_95 = arith.constant 0 : index
    %get3A_96 = arith.constant 0 : index
    %get3A_97 = vector.load %arg6[%get3A_95, %get3A_96] : memref<1x16xf32, #tpu.memory_space<vmem>>, vector<1x16xf32>
    %add3A_98 = vector.broadcast %get3A_97 : vector<1x16xf32> to vector<16384x16xf32>
    %add3A_99 = arith.addf %dot_general3A_94, %add3A_98 : vector<16384x16xf32>
    %get3A_100 = arith.constant 0 : index
    %get3A_101 = arith.constant 0 : index
    %get3A_102 = vector.load %arg15[%get3A_100, %get3A_101] : memref<1x16xf32, #tpu.memory_space<vmem>>, vector<1x16xf32>
    %get3A_103 = arith.constant 0 : index
    %get3A_104 = arith.constant 0 : index
    %get3A_105 = vector.load %arg16[%get3A_103, %get3A_104] : memref<1x16xf32, #tpu.memory_space<vmem>>, vector<1x16xf32>
    %mul3A_106 = arith.mulf %add3A_99, %add3A_99 : vector<16384x16xf32>
    %concatenate3A_107 = tpu.concatenate %add3A_99, %mul3A_106 in 1 : vector<16384x16xf32>, vector<16384x16xf32> -> vector<16384x32xf32>
    %dot_general3A_108 = arith.constant dense<0.000000e+00> : vector<1x32xf32>
    %dot_general3A_109 = tpu.matmul %broadcast_in_dim3A_0, %concatenate3A_107, %dot_general3A_108 {dimension_numbers = #tpu.dot_dimension_numbers<[1], [0], [0], [1], [0, 0, 1, 1], [], []>, transpose_lhs_hint = false} : vector<1x16384xf32>, vector<16384x32xf32>, vector<1x32xf32> -> vector<1x32xf32>
    %slice3A_110 = vector.extract_strided_slice %dot_general3A_109 {offsets = [0, 0], sizes = [1, 16], strides = [1, 1]} : vector<1x32xf32> to vector<1x16xf32>
    %squeeze3A_111 = vector.shape_cast %slice3A_110 : vector<1x16xf32> to vector<16xf32>
    %mul3A_112 = arith.constant 6.10351563E-5 : f32
    %mul3A_113 = vector.broadcast %mul3A_112 : f32 to vector<16xf32>
    %mul3A_114 = arith.mulf %squeeze3A_111, %mul3A_113 : vector<16xf32>
    %slice3A_115 = vector.extract_strided_slice %dot_general3A_109 {offsets = [0, 16], sizes = [1, 16], strides = [1, 1]} : vector<1x32xf32> to vector<1x16xf32>
    %squeeze3A_116 = vector.shape_cast %slice3A_115 : vector<1x16xf32> to vector<16xf32>
    %mul3A_117 = arith.constant 6.10351563E-5 : f32
    %mul3A_118 = vector.broadcast %mul3A_117 : f32 to vector<16xf32>
    %mul3A_119 = arith.mulf %squeeze3A_116, %mul3A_118 : vector<16xf32>
    %mul3A_120 = arith.mulf %mul3A_114, %mul3A_114 : vector<16xf32>
    %sub3A_121 = arith.subf %mul3A_119, %mul3A_120 : vector<16xf32>
    %add3A_122 = arith.constant 9.99999974E-6 : f32
    %add3A_123 = vector.broadcast %add3A_122 : f32 to vector<16xf32>
    %add3A_124 = arith.addf %sub3A_121, %add3A_123 : vector<16xf32>
    %rsqrt3A_125 = math.rsqrt %add3A_124 : vector<16xf32>
    %broadcast_in_dim3A_126 = vector.shape_cast %rsqrt3A_125 : vector<16xf32> to vector<1x16xf32>
    %mul3A_127 = arith.mulf %get3A_102, %broadcast_in_dim3A_126 : vector<1x16xf32>
    %broadcast_in_dim3A_128 = vector.shape_cast %mul3A_114 : vector<16xf32> to vector<1x16xf32>
    %mul3A_129 = arith.mulf %broadcast_in_dim3A_128, %mul3A_127 : vector<1x16xf32>
    %sub3A_130 = arith.subf %get3A_105, %mul3A_129 : vector<1x16xf32>
    %mul3A_131 = vector.broadcast %mul3A_127 : vector<1x16xf32> to vector<16384x16xf32>
    %mul3A_132 = arith.mulf %add3A_99, %mul3A_131 : vector<16384x16xf32>
    %add3A_133 = vector.broadcast %sub3A_130 : vector<1x16xf32> to vector<16384x16xf32>
    %add3A_134 = arith.addf %mul3A_132, %add3A_133 : vector<16384x16xf32>
    %max3A_135 = arith.constant 0.000000e+00 : f32
    %max3A_136 = vector.broadcast %max3A_135 : f32 to vector<16384x16xf32>
    %max3A_137 = arith.maximumf %add3A_134, %max3A_136 : vector<16384x16xf32>
    %get3A_138 = arith.constant 0 : index
    %get3A_139 = arith.constant 0 : index
    %get3A_140 = vector.load %arg7[%get3A_138, %get3A_139] : memref<8x16xf32, #tpu.memory_space<vmem>>, vector<8x16xf32>
    %dot_general3A_141 = arith.constant dense<0.000000e+00> : vector<16384x8xf32>
    %dot_general3A_142 = tpu.matmul %max3A_137, %get3A_140, %dot_general3A_141 {dimension_numbers = #tpu.dot_dimension_numbers<[1], [1], [0], [0], [0, 0, 1, 0], [], []>, transpose_lhs_hint = false} : vector<16384x16xf32>, vector<8x16xf32>, vector<16384x8xf32> -> vector<16384x8xf32>
    %get3A_143 = arith.constant 0 : index
    %get3A_144 = arith.constant 0 : index
    %get3A_145 = vector.load %arg8[%get3A_143, %get3A_144] : memref<1x8xf32, #tpu.memory_space<vmem>>, vector<1x8xf32>
    %add3A_146 = vector.broadcast %get3A_145 : vector<1x8xf32> to vector<16384x8xf32>
    %add3A_147 = arith.addf %dot_general3A_142, %add3A_146 : vector<16384x8xf32>
    %get3A_148 = arith.constant 0 : index
    %get3A_149 = arith.constant 0 : index
    %get3A_150 = vector.load %arg17[%get3A_148, %get3A_149] : memref<1x8xf32, #tpu.memory_space<vmem>>, vector<1x8xf32>
    %get3A_151 = arith.constant 0 : index
    %get3A_152 = arith.constant 0 : index
    %get3A_153 = vector.load %arg18[%get3A_151, %get3A_152] : memref<1x8xf32, #tpu.memory_space<vmem>>, vector<1x8xf32>
    %mul3A_154 = arith.mulf %add3A_147, %add3A_147 : vector<16384x8xf32>
    %concatenate3A_155 = tpu.concatenate %add3A_147, %mul3A_154 in 1 : vector<16384x8xf32>, vector<16384x8xf32> -> vector<16384x16xf32>
    %dot_general3A_156 = arith.constant dense<0.000000e+00> : vector<1x16xf32>
    %dot_general3A_157 = tpu.matmul %broadcast_in_dim3A_0, %concatenate3A_155, %dot_general3A_156 {dimension_numbers = #tpu.dot_dimension_numbers<[1], [0], [0], [1], [0, 0, 1, 1], [], []>, transpose_lhs_hint = false} : vector<1x16384xf32>, vector<16384x16xf32>, vector<1x16xf32> -> vector<1x16xf32>
    %slice3A_158 = vector.extract_strided_slice %dot_general3A_157 {offsets = [0, 0], sizes = [1, 8], strides = [1, 1]} : vector<1x16xf32> to vector<1x8xf32>
    %squeeze3A_159 = vector.shape_cast %slice3A_158 : vector<1x8xf32> to vector<8xf32>
    %mul3A_160 = arith.constant 6.10351563E-5 : f32
    %mul3A_161 = vector.broadcast %mul3A_160 : f32 to vector<8xf32>
    %mul3A_162 = arith.mulf %squeeze3A_159, %mul3A_161 : vector<8xf32>
    %slice3A_163 = vector.extract_strided_slice %dot_general3A_157 {offsets = [0, 8], sizes = [1, 8], strides = [1, 1]} : vector<1x16xf32> to vector<1x8xf32>
    %squeeze3A_164 = vector.shape_cast %slice3A_163 : vector<1x8xf32> to vector<8xf32>
    %mul3A_165 = arith.constant 6.10351563E-5 : f32
    %mul3A_166 = vector.broadcast %mul3A_165 : f32 to vector<8xf32>
    %mul3A_167 = arith.mulf %squeeze3A_164, %mul3A_166 : vector<8xf32>
    %mul3A_168 = arith.mulf %mul3A_162, %mul3A_162 : vector<8xf32>
    %sub3A_169 = arith.subf %mul3A_167, %mul3A_168 : vector<8xf32>
    %add3A_170 = arith.constant 9.99999974E-6 : f32
    %add3A_171 = vector.broadcast %add3A_170 : f32 to vector<8xf32>
    %add3A_172 = arith.addf %sub3A_169, %add3A_171 : vector<8xf32>
    %rsqrt3A_173 = math.rsqrt %add3A_172 : vector<8xf32>
    %broadcast_in_dim3A_174 = vector.shape_cast %rsqrt3A_173 : vector<8xf32> to vector<1x8xf32>
    %mul3A_175 = arith.mulf %get3A_150, %broadcast_in_dim3A_174 : vector<1x8xf32>
    %broadcast_in_dim3A_176 = vector.shape_cast %mul3A_162 : vector<8xf32> to vector<1x8xf32>
    %mul3A_177 = arith.mulf %broadcast_in_dim3A_176, %mul3A_175 : vector<1x8xf32>
    %sub3A_178 = arith.subf %get3A_153, %mul3A_177 : vector<1x8xf32>
    %mul3A_179 = vector.broadcast %mul3A_175 : vector<1x8xf32> to vector<16384x8xf32>
    %mul3A_180 = arith.mulf %add3A_147, %mul3A_179 : vector<16384x8xf32>
    %add3A_181 = vector.broadcast %sub3A_178 : vector<1x8xf32> to vector<16384x8xf32>
    %add3A_182 = arith.addf %mul3A_180, %add3A_181 : vector<16384x8xf32>
    %max3A_183 = arith.constant 0.000000e+00 : f32
    %max3A_184 = vector.broadcast %max3A_183 : f32 to vector<16384x8xf32>
    %max3A_185 = arith.maximumf %add3A_182, %max3A_184 : vector<16384x8xf32>
    %get3A_186 = arith.constant 0 : index
    %get3A_187 = arith.constant 0 : index
    %get3A_188 = vector.load %arg9[%get3A_186, %get3A_187] : memref<1x8xf32, #tpu.memory_space<vmem>>, vector<1x8xf32>
    %broadcast_in_dim3A_189 = arith.constant 0.000000e+00 : f32
    %broadcast_in_dim3A_190 = vector.broadcast %broadcast_in_dim3A_189 : f32 to vector<7x8xf32>
    %concatenate3A_191 = tpu.concatenate %get3A_188, %broadcast_in_dim3A_190 in 0 : vector<1x8xf32>, vector<7x8xf32> -> vector<8x8xf32>
    %dot_general3A_192 = arith.constant dense<0.000000e+00> : vector<16384x8xf32>
    %dot_general3A_193 = tpu.matmul %max3A_185, %concatenate3A_191, %dot_general3A_192 {dimension_numbers = #tpu.dot_dimension_numbers<[1], [1], [0], [0], [0, 0, 1, 0], [], []>, transpose_lhs_hint = false} : vector<16384x8xf32>, vector<8x8xf32>, vector<16384x8xf32> -> vector<16384x8xf32>
    %slice3A_194 = vector.extract_strided_slice %dot_general3A_193 {offsets = [0, 0], sizes = [16384, 1], strides = [1, 1]} : vector<16384x8xf32> to vector<16384x1xf32>
    %get3A_195 = arith.constant 0 : index
    %get3A_196 = arith.constant 0 : index
    %get3A_197 = memref.load %arg10[%get3A_195, %get3A_196] : memref<1x1xf32, #tpu.memory_space<smem>>
    %add3A_198 = vector.broadcast %get3A_197 : f32 to vector<16384x1xf32>
    %add3A_199 = arith.addf %slice3A_194, %add3A_198 : vector<16384x1xf32>
    %logistic3A = arith.negf %add3A_199 : vector<16384x1xf32>
    %logistic3A_200 = math.exp %logistic3A : vector<16384x1xf32>
    %logistic3A_201 = arith.constant 1.000000e+00 : f32
    %logistic3A_202 = vector.broadcast %logistic3A_201 : f32 to vector<16384x1xf32>
    %logistic3A_203 = arith.addf %logistic3A_202, %logistic3A_200 : vector<16384x1xf32>
    %logistic3A_204 = arith.divf %logistic3A_202, %logistic3A_203 : vector<16384x1xf32>
    %mul3A_205 = arith.constant 5.000000e+00 : f32
    %mul3A_206 = vector.broadcast %mul3A_205 : f32 to vector<16384x1xf32>
    %mul3A_207 = arith.mulf %mul3A_206, %logistic3A_204 : vector<16384x1xf32>
    %swap3A = arith.constant 0 : index
    %swap3A_208 = arith.constant 0 : index
    %swap3A_209 = vector.load %arg19[%swap3A, %swap3A_208] : memref<16384x1xf32, #tpu.memory_space<vmem>>, vector<16384x1xf32>
    tpu.vector_store %arg19[%swap3A, %swap3A_208], %mul3A_207 {strides = array<i32>} : memref<16384x1xf32, #tpu.memory_space<vmem>>, vector<16384x1xf32>,
    return
  }
}

</mosaic_0001>

<sc_bundles>
// kernel: kernel.4.cloned.1.call-start
scs
__scs_entry_jumppad:
0x0: {  	(pc) =	sbr.rel $0x88, $3  }
0x1: {  	(tag) =	ssettag $0x0;
	lr =	simm.s32 $0x1  }
0x2: {  	[smem:$0x3F8B] =	sst lr;
	_ =	strace $0xD0000000  }
0x3: {  	_ = 	snop  }
0x4: {  	_ = 	snop  }
0x5: {  	_ = 	snop  }
0x6: {  	_ = 	snop  }
0x7: {  	_ = 	snop  }
__scs_overlays_trampoline_lowered:
0x8: {  	[smem:$0x3F9A] =	sst s0  }
0x9: {  	[smem:$0x3F9B] =	sst s1  }
0xa: {  	[smem:$0x3F9C] =	sst s2  }
0xb: {  	[smem:$0x3F9D] =	sst s3  }
0xc: {  	[smem:$0x3F9E] =	sst s4  }
0xd: {  	[smem:$0x3F9F] =	sst s5  }
0xe: {  	[smem:$0x3FA0] =	sst s6  }
0xf: {  	[smem:$0x3FA1] =	sst s7  }
0x10: {  	[smem:$0x3FA2] =	sst s8  }
0x11: {  	[smem:$0x3FA3] =	sst s9;
	s0 =	simm.s32 @!p0 $0x0  }
0x12: {  	s1 =	sld [smem:$0x3F89];
	s0 =	simm.s32 @p0 $0x1  }
0x13: {  	[smem:$0x3FA4] =	sst s0;
	s0 =	simm.s32 @!p1 $0x0  }
0x14: {  	s2 =	sld [smem:$0x3F88];
	s0 =	simm.s32 @p1 $0x1  }
0x15: {  	[smem:$0x3FA5] =	sst s0;
	s0 =	simm.s32 @!p2 $0x0  }
0x16: {  	s3 =	sld [smem:$0x3FDB];
	s0 =	simm.s32 @p2 $0x1  }
0x17: {  	s4 =	simm.s32 $0x1BF5;
	[smem:$0x3FA7] =	sst s0  }
0x18: {  	s0 =	sld [smem:$0x3F8A];
	_ =	swait.ge [sflag:s4], $0x0  }
0x19: {  	s7 =	sld [smem:$0x3F8B]  }
0x1a: {  	s8 =	sadd.s32 $0xFFFFE003, lr  }
0x1b: {  	s9 =	sadd.s32 $0xFFFFFEF7, lr;
	s5 =	simm.s32 $0xFFFFFFFF;
	p2 =	slt.u32 s8, $0xFFFFF086  }
0x1c: {  	p1 =	slt.u32 s9, $0xF7A;
	s5 =	simm.s32 @!p2 $0x0  }
0x1d: {  	s5 =	simm.s32 @p1 $0x1;
	p0 =	seq.s32 s7, s2  }
0x1e: {  	s7 =	smul.u32 @!p0 $0xF7A, s2;
	p2 =	seq.s32 @!p0 s5, $0x0  }
0x1f: {  	s9 =	smul.u32 $0xF7A, s1;
	s8 =	simm.s32 @!p0 $0x1BF5;
	p2 =	por !p2, p0  }
0x20: {  	[sflag:s8] =	ssyncset.s32 @!p0 $0xFFFFF086;
	s6 =	sadd.s32 @!p0 s3, s7;
	s7 =	simm.s32 @!p0 $0x108  }
0x21: {  	s3 =	sadd.s32 s3, s9;
	s6 =	sadd.s32 @!p0 $0x88, s6;
	s7 =	simm.s32 @p2 $0x1082  }
0x22: {  	[simem:s7], [sflag:s8] =	dma.local @!p0 [hbm:s6], $0xF7A  }
0x23: {  	s9 =	sor.u32 $0xD0000000, s2;
	s6 =	simm.s32 $0x108;
	_ =	swait.ge @!p0 [sflag:s8], $0x0  }
0x24: {  	s3 =	sadd.s32 $0x88, s3;
	s6 =	simm.s32 @!p1 $0x1082;
	[sflag:s4] =	ssyncset.s32 $0xFFFFF086  }
0x25: {  	[simem:s6], [sflag:s4] =	dma.local [hbm:s3], $0xF7A  }
0x26: {  	[smem:$0x3F8B] =	sst s1;
	(tag) =	ssettag s2;
	_ =	strace s9  }
0x27: {  	s1 =	sld [smem:$0x3F9B]  }
0x28: {  	s2 =	sld [smem:$0x3F9C]  }
0x29: {  	s4 =	sld [smem:$0x3F9E]  }
0x2a: {  	p0 =	seq.s32 s5, $0x0;
	s5 =	sld [smem:$0x3F9F]  }
0x2b: {  	s6 =	sld [smem:$0x3FA0]  }
0x2c: {  	s7 =	sld [smem:$0x3FA1]  }
0x2d: {  	s3 =	simm.s32 $0x108;
	s8 =	sld [smem:$0x3FA2]  }
0x2e: {  	s3 =	simm.s32 @!p0 $0x1082;
	s9 =	sld [smem:$0x3FA3]  }
0x2f: {  	lr =	sadd.s32 s0, s3;
	s0 =	sld [smem:$0x3F9A]  }
0x30: {  	s3 =	sld [smem:$0x3F9D]  }
0x31: {  	[smem:$0x3FA6] =	sst s10  }
0x32: {  	s10 =	sld [smem:$0x3FA4];
	_ =	sdelay $0x3  }
0x33: {  	p0 =	seq.s32 s10, $0x1;
	s10 =	sld [smem:$0x3FA6];
	_ =	sdelay $0x3  }
0x34: {  	[smem:$0x3FA6] =	sst s10  }
0x35: {  	s10 =	sld [smem:$0x3FA5];
	_ =	sdelay $0x3  }
0x36: {  	p1 =	seq.s32 s10, $0x1;
	s10 =	sld [smem:$0x3FA6];
	_ =	sdelay $0x3  }
0x37: {  	[smem:$0x3FA6] =	sst s10  }
0x38: {  	s10 =	sld [smem:$0x3FA7]  }
0x39: {  	_ = 	snop;
	(pc) =	sbr.ind lr, $3  }
0x3a: {  	_ = 	snop  }
0x3b: {  	_ = 	snop  }
0x3c: {  	p2 =	seq.s32 s10, $0x1;
	s10 =	sld [smem:$0x3FA6]  }
0x3d: {  	_ =	shalt  }
0x3e: {  	_ =	shalt  }
0x3f: {  	_ =	shalt  }
0x40: {  	_ =	shalt  }
0x41: {  	_ =	shalt  }
0x42: {  	_ =	shalt  }
0x43: {  	_ =	shalt  }
0x44: {  	_ =	shalt  }
0x45: {  	_ =	shalt  }
0x46: {  	_ =	shalt  }
0x47: {  	_ =	shalt  }
0x48: {  	_ =	shalt  }
0x49: {  	_ =	shalt  }
0x4a: {  	_ =	shalt  }
0x4b: {  	_ =	shalt  }
0x4c: {  	_ =	shalt  }
0x4d: {  	_ =	shalt  }
0x4e: {  	_ =	shalt  }
0x4f: {  	_ =	shalt  }
0x50: {  	_ =	shalt  }
0x51: {  	_ =	shalt  }
0x52: {  	_ =	shalt  }
0x53: {  	_ =	shalt  }
0x54: {  	_ =	shalt  }
0x55: {  	_ =	shalt  }
0x56: {  	_ =	shalt  }
0x57: {  	_ =	shalt  }
0x58: {  	_ =	shalt  }
0x59: {  	_ =	shalt  }
0x5a: {  	_ =	shalt  }
0x5b: {  	_ =	shalt  }
0x5c: {  	_ =	shalt  }
0x5d: {  	_ =	shalt  }
0x5e: {  	_ =	shalt  }
0x5f: {  	_ =	shalt  }
0x60: {  	_ =	shalt  }
0x61: {  	_ =	shalt  }
0x62: {  	_ =	shalt  }
0x63: {  	_ =	shalt  }
0x64: {  	_ =	shalt  }
0x65: {  	_ =	shalt  }
0x66: {  	_ =	shalt  }
0x67: {  	_ =	shalt  }
0x68: {  	_ =	shalt  }
0x69: {  	_ =	shalt  }
0x6a: {  	_ =	shalt  }
0x6b: {  	_ =	shalt  }
0x6c: {  	_ =	shalt  }
0x6d: {  	_ =	shalt  }
0x6e: {  	_ =	shalt  }
0x6f: {  	_ =	shalt  }
0x70: {  	_ =	shalt  }
0x71: {  	_ =	shalt  }
0x72: {  	_ =	shalt  }
0x73: {  	_ =	shalt  }
0x74: {  	_ =	shalt  }
0x75: {  	_ =	shalt  }
0x76: {  	_ =	shalt  }
0x77: {  	_ =	shalt  }
0x78: {  	_ =	shalt  }
0x79: {  	_ =	shalt  }
0x7a: {  	_ =	shalt  }
0x7b: {  	_ =	shalt  }
0x7c: {  	_ =	shalt  }
0x7d: {  	_ =	shalt  }
0x7e: {  	_ =	shalt  }
0x7f: {  	_ =	shalt  }
0x80: {  	_ =	shalt  }
0x81: {  	_ =	shalt  }
0x82: {  	_ =	shalt  }
0x83: {  	_ =	shalt  }
0x84: {  	_ =	shalt  }
0x85: {  	_ =	shalt  }
0x86: {  	_ =	shalt  }
0x87: {  	_ =	shalt  }
.Lfunc_end0:
.L_simem_size_0:
called_computation_lowered:
.L_overlay_start_0:
0x88: {  	s2 =	sld [smem:$0x3FD9]  }
0x89: {  	s3 =	sld [smem:$0x3FFE];
	_ =	sdelay $0x1  }
0x8a: {  	s1 =	srdreg.scid  }
0x8b: {  	s0 =	sand.u32 $0x1, s1  }
0x8c: {  	s17 =	sshll.u32 s0, $0xA;
	s2 =	sadd.s32 s3, s2  }
0x8d: {  	s2 =	sadd.s32 s2, s17  }
0x8e: {  	[smem:$0x3FB2] =	sst s2  }
0x8f: {  	_ = 	snop  }
0x90: {  	s2 =	sld [smem:$0x3FC9]  }
0x91: {  	s18 =	sld [smem:$0x3FC8];
	(tm) =	ssettm $0x1  }
0x92: {  	s4 =	sld [smem:$0x3FFB];
	_ =	sdelay $0x3  }
0x93: {  	_ =	strace s4  }
0x94: {  	s4 =	sld [smem:$0x3FFC];
	_ =	sdelay $0x3  }
0x95: {  	_ =	strace s4  }
0x96: {  	s4 =	sld [smem:$0x3FFD];
	_ =	sdelay $0x3  }
0x97: {  	_ =	strace s4  }
0x98: {  	_ =	strace $0x8FFFFFFF  }
0x99: {  	s19 =	sld [smem:$0x3FDB];
	_ =	sdelay $0x1  }
0x9a: {  	s5 =	simm.s32 $_scs_section_size  }
0x9b: {  	s6 =	simm.s32 $_size__tile_overlayer_lowered;
	s7 =	simm.s32 $_tile_overlayer_lowered  }
0x9c: {  	s22 =	simm.s32 $0x1BFF;
	s21 =	sshll.u32 s7, $0x1;
	s4 =	sadd.s32 s5, s19  }
0x9d: {  	s8 =	simm.s32 $0x0;
	s20 =	sshll.u32 s6, $0x1;
	s6 =	sadd.s32 s21, s4  }
0x9e: {  	[timem:s8], [sflag:s22] =	dma.local [hbm:s6], s20  }
0x9f: {  	_ =	swait.ge [sflag:s22], s20  }
0xa0: {  	s5 =	ssub.s32 $0x0, s20;
	[sflag:s22] =	ssyncset.done $0x0  }
0xa1: {  	[sflag:s22] =	ssyncadd.s32 s5;
	_ =	sdelay $0x1  }
0xa2: {  	s23 =	simm.s32 $0x1B8B  }
0xa3: {  	_ =	swait.ge [sflag:s23], $0x1  }
0xa4: {  	[sflag:s23] =	ssyncset.done $0x0  }
0xa5: {  	s25 =	simm.s32 $0x1B8E;
	s24 =	sld [smem:$0x3FFE];
	[sflag:s23] =	ssyncadd.s32 $0xFFFFFFFF  }
0xa6: {  	s26 =	simm.s32 $execute0_lowered;
	[smem:$0x3FD2] =	sst s25  }
0xa7: {  	s6 =	sshll.u32 s26, $0x1;
	_ =	strace $0x80000046;
	[dreg:$0x1] =	wrdreg $0xFFFFFFFF  }
0xa8: {  	s28 =	simm.s32 $_size_execute0_lowered;
	s4 =	sadd.s32 s4, s6;
	[dreg:$0x0] =	wrdreg $0x0  }
0xa9: {  	s6 =	sshll.u32 s28, $0x1;
	[dreg:$0x2] =	wrdreg s4  }
0xaa: {  	[dreg:$0x3] =	wrdreg s6  }
0xab: {  	[dreg:$0x4] =	wrdreg $0xC0  }
0xac: {  	_ =	task [dreg:s8], $0x5FFFF  }
0xad: {  	[dreg:$0x1] =	wrdreg $0xFFFFFFFF  }
0xae: {  	[dreg:$0x0] =	wrdreg $0x60  }
0xaf: {  	[dreg:$0x2] =	wrdreg s2  }
0xb0: {  	[dreg:$0x3] =	wrdreg s18  }
0xb1: {  	[dreg:$0x4] =	wrdreg s24  }
0xb2: {  	[dreg:$0x5] =	wrdreg $0x9  }
0xb3: {  	_ =	task.clear_ibuf [dreg:s8], $0x6FFFF;
	_ =	strace $0x90000046  }
0xb4: {  	s29 =	simm.s32 $0x9;
	_ =	strace $0x80000048  }
0xb5: {  	_ =	swait.ge [sflag:s29], $0x1  }
0xb6: {  	[sflag:s29] =	ssyncadd.s32 $0xFFFFFFFF  }
0xb7: {  	_ =	strace $0x90000048  }
0xb8: {  	_ =	sfence  }
0xb9: {  	s30 =	sld [smem:$0x0];
	_ =	sdelay $0x2  }
0xba: {  	s31 =	sshll.u32 s1, $0xD;
	s1 =	sshrl.u32 s1, $0x2  }
0xbb: {  	s3 =	sand.u32 $0x4000, s31;
	s1 =	sadd.s32 s1, s30  }
0xbc: {  	s0 =	sor.u32 s3, s0;
	s1 =	sshll.u32 s1, $0x11  }
0xbd: {  	s0 =	sor.u32 s1, s0  }
0xbe: {  	s0 =	sadd.s32 $0x8F2B, s0  }
0xbf: {  	[sflag:s0] =	ssyncadd.remote.s32 $0x1  }
0xc0: {  	_ =	sfence.sel $0xFFFF  }
0xc1: {  	[dreg:$0x0] =	wrdreg $0xFFFFFFFF;
	(pc) =	sbr.abs _section_cstart, $3  }
0xc2: {  	[dreg:$0x1] =	wrdreg $0xFFFFFFFF  }
0xc3: {  	_ =	task.clear_ibuf [dreg:s8], $0x2FFFF;
	_ =	strace $0x9FFFFFFF  }
0xc4: {  	(tm) =	ssettm $0x7FFFFFFF  }
0xc5: {  	_ =	shalt  }
tec
execute0_lowered:
.L_overlay_start_1:
0x0: {  	(tag) =	ssettag $0x1  }
0x1: {  	s3 =	rddreg [dreg:$0x0];
	s1 =	srdreg.scid  }
0x2: {  	s5 =	rddreg [dreg:$0x1];
	s0 =	stileid.u32;
	s13 =	sand.u32 $0x1, s1  }
0x3: {  	s14 =	rddreg [dreg:$0x2];
	s4 =	sshll.u32 s0, $0xA;
	s6 =	sshll.u32 s13, $0x9  }
0x4: {  	s2 =	simm.s32 $0x0;
	s1 =	rddreg [dreg:$0x3];
	s12 =	sor.u32 s6, s4  }
0x5: {  	[smem:$0x7FF] =	sst s2;
	s6 =	sshrl.u32 s12, $0x3  }
0x6: {  	_ =	strace $0x80000047;
	s4 =	sadd.s32 s3, s6;
	s3 =	simm.s32 $0x3  }
0x7: {  	[tilespmem:s2], [sflag:$0x3] =	stream.linear.gather [hbm4b:s4+s2], $0x200, $0x38;
	[tilespmem:$0x10400] =	vst v63  }
0x8: {  	_ =	swait.ge [sflag:s3], $0x200  }
0x9: {  	[sflag:s3] =	ssyncset.done $0x0  }
0xa: {  	s5 =	sadd.s32 s5, s6;
	s6 =	simm.s32 $0x200;
	[sflag:s3] =	ssyncadd.s32 $0xFFFFFE00  }
0xb: {  	[tilespmem:s6], [sflag:$0x3] =	stream.linear.gather [hbm4b:s5+s2], $0x200, $0x38;
	[tilespmem:$0x10400] =	vst v63  }
0xc: {  	_ =	swait.ge [sflag:s3], $0x200  }
0xd: {  	[sflag:s3] =	ssyncset.done $0x0  }
0xe: {  	s8 =	simm.s32 $0x400;
	s7 =	sadd.s32 $0x24E400, s14;
	[sflag:s3] =	ssyncadd.s32 $0xFFFFFE00  }
0xf: {  	[tilespmem:s8], [sflag:$0x1] =	stream.indirect.gather [hbm4b:s7+s6], $0x40, s2, s6, $0xb8;
	[tilespmem:$0x10400] =	vst v63  }
0x10: {  	s10 =	simm.s32 $0x8400;
	s11 =	simm.s32 $0x1;
	s9 =	sadd.s32 $0x18AE00, s14  }
0x11: {  	[tilespmem:s10], [sflag:$0x2] =	stream.indirect.gather [hbm4b:s9+s6], $0x40, s6, s6, $0xb8;
	[tilespmem:$0x10400] =	vst v63  }
0x12: {  	s17 =	ssub.s32 $0x2, s13;
	_ =	swait.ge [sflag:s11], $0x8000  }
0x13: {  	s18 =	sshrl.u32 s17, $0x1;
	[sflag:s11] =	ssyncset.done $0x0  }
0x14: {  	s15 =	sshll.u32 s12, $0x4;
	s12 =	simm.s32 $0x2;
	[sflag:s11] =	ssyncadd.s32 $0xFFFF8000  }
0x15: {  	s17 =	ssub.s32 s17, s18;
	s16 =	sadd.s32 s15, s14;
	_ =	swait.ge [sflag:s12], $0x8000  }
0x16: {  	s14 =	simm.s32 $0x40;
	s15 =	simm.s32 $0x80;
	[sflag:s12] =	ssyncset.done $0x0  }
0x17: {  	s17 =	smax.u32 s17, $0x1;
	s13 =	sadd.s32 $0x4400, s16;
	[sflag:s12] =	ssyncadd.s32 $0xFFFF8000  }
0x18: {  	[hbm4b:s13+s14] =	stream.strided.scatter [tilespmem:s8], [sflag:$0x3], $0x8000, s15, s14, $0x38;
	[tilespmem:$0x10400] =	vst v63  }
0x19: {  	p0 =	sne.s32 s17, $0x1;
	_ =	swait.ge [sflag:s3], $0x8000  }
.Ltmp0:
0x1a: {  	[sflag:s3] =	ssyncset.done $0x0;
	(pc) =	sbr.rel @!p0 .LBB2_2-.Ltmp0, $4  }
0x1b: {  	s16 =	sadd.s32 $0x4408, s16;
	[sflag:s3] =	ssyncadd.s32 $0xFFFF8000  }
0x1c: {  	[hbm4b:s16+s14] =	stream.strided.scatter [tilespmem:s10], [sflag:$0x3], $0x8000, s15, s14, $0x38;
	[tilespmem:$0x10400] =	vst v63  }
0x1d: {  	_ =	swait.ge [sflag:s3], $0x8000  }
0x1e: {  	s17 =	sadd.s32 $0xFFFFFFFF, s17;
	[sflag:s3] =	ssyncset.done $0x0  }
.LBB2_1:
0x1f: {  	p0 =	sne.s32 s17, $0x1;
	s17 =	sadd.s32 $0xFFFFFFFF, s17;
	[sflag:s3] =	ssyncadd.s32 $0xFFFF8000  }
0x20: {  	[tilespmem:s2], [sflag:$0x3] =	stream.linear.gather [hbm4b:s4+s2], $0x200, $0x38;
	[tilespmem:$0x10400] =	vst v63  }
0x21: {  	_ =	swait.ge [sflag:s3], $0x200  }
0x22: {  	[sflag:s3] =	ssyncset.done $0x0  }
0x23: {  	[sflag:s3] =	ssyncadd.s32 $0xFFFFFE00  }
0x24: {  	[tilespmem:s6], [sflag:$0x3] =	stream.linear.gather [hbm4b:s5+s2], $0x200, $0x38;
	[tilespmem:$0x10400] =	vst v63  }
0x25: {  	_ =	swait.ge [sflag:s3], $0x200  }
0x26: {  	[sflag:s3] =	ssyncset.done $0x0  }
0x27: {  	[sflag:s3] =	ssyncadd.s32 $0xFFFFFE00  }
0x28: {  	[tilespmem:s8], [sflag:$0x1] =	stream.indirect.gather [hbm4b:s7+s6], $0x40, s2, s6, $0xb8;
	[tilespmem:$0x10400] =	vst v63  }
0x29: {  	_ = 	snop  }
0x2a: {  	[tilespmem:s10], [sflag:$0x2] =	stream.indirect.gather [hbm4b:s9+s6], $0x40, s6, s6, $0xb8;
	[tilespmem:$0x10400] =	vst v63  }
0x2b: {  	_ =	swait.ge [sflag:s11], $0x8000  }
0x2c: {  	[sflag:s11] =	ssyncset.done $0x0  }
0x2d: {  	[sflag:s11] =	ssyncadd.s32 $0xFFFF8000  }
0x2e: {  	_ =	swait.ge [sflag:s12], $0x8000  }
0x2f: {  	[sflag:s12] =	ssyncset.done $0x0  }
0x30: {  	[sflag:s12] =	ssyncadd.s32 $0xFFFF8000  }
0x31: {  	[hbm4b:s13+s14] =	stream.strided.scatter [tilespmem:s8], [sflag:$0x3], $0x8000, s15, s14, $0x38;
	[tilespmem:$0x10400] =	vst v63  }
0x32: {  	_ =	swait.ge [sflag:s3], $0x8000  }
.Ltmp1:
0x33: {  	[sflag:s3] =	ssyncset.done $0x0;
	(pc) =	sbr.rel @p0 .LBB2_1-.Ltmp1, $4  }
0x34: {  	[sflag:s3] =	ssyncadd.s32 $0xFFFF8000  }
0x35: {  	[hbm4b:s16+s14] =	stream.strided.scatter [tilespmem:s10], [sflag:$0x3], $0x8000, s15, s14, $0x38;
	[tilespmem:$0x10400] =	vst v63  }
0x36: {  	_ =	swait.ge [sflag:s3], $0x8000  }
0x37: {  	[sflag:s3] =	ssyncset.done $0x0  }
.LBB2_2:
0x38: {  	[sflag:s3] =	ssyncadd.s32 $0xFFFF8000  }
0x39: {  	_ =	sfence.sel $0x180000  }
0x3a: {  	[bflag:$0x0] =	sbarrier.arrive $0xFFFF  }
0x3b: {  	p0 =	sne.s32 s0, $0x0;
	_ =	strace $0x90000047  }
0x3c: {  	s0 =	sadd.s32 @!p0 $0x100000, s1;
	[bflag:$0x2] =	sbarrier.arrive $0xFFFF  }
0x3d: {  	[sflag:s0] =	ssyncadd.tile.s32 @!p0 $0x1;
	_ =	shalt  }
.Lfunc_end2:
_tile_overlayer_lowered:
.L_overlay_start_2:
0x3e: {  	(tag) =	ssettag $0x2  }
0x3f: {  	s0 =	rddreg [dreg:$0x0];
	s2 =	stileid.u32  }
0x40: {  	s1 =	rddreg [dreg:$0x1];
	p0 =	sne.s32 s2, $0x0  }
0x41: {  	s3 =	rddreg [dreg:$0x2];
	[bflag:$0x3] =	sbarrier.arrive $0xFFFF;
	s2 =	simm.s32 @!p0 $0x1C03  }
0x42: {  	[timem:s3], [sflag:s2] =	dma.local @!p0 [hbm:s0], s1  }
0x43: {  	s0 =	simm.s32 @!p0 $0x3  }
0x44: {  	_ =	swait.ge @!p0 [sflag:s0], s1  }
0x45: {  	s1 =	ssub.s32 @!p0 $0x0, s1;
	[sflag:s0] =	ssyncset.done @!p0 $0x0  }
0x46: {  	[sflag:s0] =	ssyncadd.s32 @!p0 s1  }
0x47: {  	[bflag:$0x3] =	sbarrier.arrive $0xFFFF  }
0x48: {  	_ =	shalt  }

</sc_bundles>
